<compile_context>
chip_gen: v7x
topology: tpu7x:2x2x1
jax: 0.10.2.dev20260603
libtpu: 0.0.44.dev20260713+nightly
codegen_flags: <defaults>
</compile_context>

<pallas_src>
import functools

import jax
import jax.numpy as jnp
from jax import lax
from jax.experimental import pallas as pl
from jax.experimental.pallas import tpu as pltpu
from jax.experimental.pallas import tpu_sc as plsc

_CHUNK = 128
_PADW = 128


def _gather_body(n_chunks, n_cores, idx_hbm, table_hbm, out_hbm,
                 idx_v, buf0, buf1, sem0, sem1):
    wid = lax.axis_index("s") * n_cores + lax.axis_index("c")
    base = wid * (n_chunks * _CHUNK)
    pltpu.sync_copy(idx_hbm.at[wid], idx_v)

    def fire(c, buf, sem):
        pltpu.async_copy(table_hbm.at[idx_v.at[c]], buf, sem)

    def drain(c, buf, sem):
        pltpu.make_async_copy(table_hbm.at[idx_v.at[c]], buf, sem).wait()

    def store(c, buf):
        pltpu.sync_copy(
            buf, out_hbm.at[pl.ds(base + c * _CHUNK, _CHUNK), pl.ds(0, 64)])

    fire(0, buf0, sem0)

    def body(i, carry):
        c0 = 2 * i
        fire(c0 + 1, buf1, sem1)
        drain(c0, buf0, sem0)
        store(c0, buf0)

        @pl.when(i + 1 < n_chunks // 2)
        def _():
            fire(c0 + 2, buf0, sem0)

        drain(c0 + 1, buf1, sem1)
        store(c0 + 1, buf1)
        return carry

    lax.fori_loop(0, n_chunks // 2, body, 0)


def _sc_gather(table, idx):
    n, = idx.shape
    info = plsc.get_sparse_core_info()
    nc, ns = info.num_cores, info.num_subcores
    nw = nc * ns
    assert n % (nw * _CHUNK) == 0, (n, nw, _CHUNK)
    n_chunks = n // (nw * _CHUNK)
    assert n_chunks % 2 == 0
    idx3 = idx.reshape(nw, n_chunks, _CHUNK)
    mesh = plsc.VectorSubcoreMesh(core_axis_name="c", subcore_axis_name="s")
    kern = functools.partial(
        pl.kernel,
        mesh=mesh,
        out_type=jax.ShapeDtypeStruct((n, _PADW), jnp.float32),
        scratch_types=[
            pltpu.VMEM((n_chunks, _CHUNK), jnp.int32),
            pltpu.VMEM((_CHUNK, 64), jnp.float32),
            pltpu.VMEM((_CHUNK, 64), jnp.float32),
            pltpu.SemaphoreType.DMA,
            pltpu.SemaphoreType.DMA,
        ],
        compiler_params=pltpu.CompilerParams(use_tc_tiling_on_sc=False),
    )(functools.partial(_gather_body, n_chunks, nc))
    return kern(idx3, table)


_TPW = 8192


def _tp_body(in_ref, out_ref):
    x = in_ref[...]
    h = _TPW // 2
    stacked = jnp.concatenate([x[:, :h], x[:, h:]], axis=0)
    out_ref[...] = stacked.T


def _tc_transpose(tbl_t):
    e, v = tbl_t.shape
    half = _TPW // 2
    grid = (v + _TPW - 1) // _TPW
    n_out = grid * half
    return pl.pallas_call(
        _tp_body,
        grid=(grid,),
        in_specs=[pl.BlockSpec((e, _TPW), lambda i: (0, i))],
        out_specs=pl.BlockSpec((half, 2 * e), lambda i: (i, 0)),
        out_shape=jax.ShapeDtypeStruct((n_out, 2 * e), jnp.float32),
        compiler_params=pltpu.CompilerParams(
            dimension_semantics=("arbitrary",)),
    )(tbl_t)


_TSTEP = 4


def _rnn_body(n_grid, e, xe_ref, wih_ref, whh_ref, b_ref, out_ref, h_ref):
    t = pl.program_id(0)

    @pl.when(t == 0)
    def _init():
        h_ref[...] = jnp.zeros_like(h_ref)

    h = h_ref[...]
    wih = wih_ref[...]
    whh = whh_ref[...]
    b = b_ref[...]
    for s in range(_TSTEP):
        x = xe_ref[s][:, :e]
        z = (jnp.dot(x, wih, preferred_element_type=jnp.float32)
             + jnp.dot(h, whh, preferred_element_type=jnp.float32)
             + b)
        h = jnp.tanh(z)
    h_ref[...] = h

    @pl.when(t == n_grid - 1)
    def _out():
        out_ref[...] = h


def _tc_rnn(xe, wih_t, whh_t, bias):
    t_steps, b, _ = xe.shape
    e, h = wih_t.shape
    n_grid = t_steps // _TSTEP
    return pl.pallas_call(
        functools.partial(_rnn_body, n_grid, e),
        grid=(n_grid,),
        in_specs=[
            pl.BlockSpec((_TSTEP, b, _PADW), lambda t: (t, 0, 0)),
            pl.BlockSpec((e, h), lambda t: (0, 0)),
            pl.BlockSpec((h, h), lambda t: (0, 0)),
            pl.BlockSpec((1, h), lambda t: (0, 0)),
        ],
        out_specs=pl.BlockSpec((b, h), lambda t: (0, 0)),
        out_shape=jax.ShapeDtypeStruct((b, h), jnp.float32),
        scratch_shapes=[pltpu.VMEM((b, h), jnp.float32)],
        compiler_params=pltpu.CompilerParams(
            dimension_semantics=("arbitrary",)),
    )(xe, wih_t, whh_t, bias)


def kernel(source, emb_table, W_ih, W_hh, b_ih, b_hh):
    b, t = source.shape
    v, e = emb_table.shape
    h = W_hh.shape[0]
    idx = source.T.reshape(-1).astype(jnp.int32)
    packed = _tc_transpose(emb_table.T)
    tbl_lin = packed.reshape(packed.shape[0] * 2, e)
    half = _TPW // 2
    g, r = idx // _TPW, idx % _TPW
    jdx = 2 * (g * half + (r % half)) + (r // half)
    embedded = _sc_gather(tbl_lin, jdx)
    xe = embedded.reshape(t, b, _PADW)
    bias = (b_ih + b_hh).reshape(1, h)
    hidden = _tc_rnn(xe, W_ih.T, W_hh.T, bias)
    return hidden[None, :, :]

# --- scband reference (transcript-rebuilt; emitter-appended) ---
"""Pipeline reference for scband-encoder-9689446220015 (READ-ONLY COPY).

The authoritative reference and input builder live on the scoring server;
editing this copy changes nothing except your own understanding.
"""

import jax, jax.numpy as jnp
import numpy as np

V = 1000000
E = 64
H = 128
B = 1024
T = 200

def setup_inputs(seed: int = 0) -> dict:
    key = jax.random.key(seed)
    k1, k2, k3, k4, k5, k6 = jax.random.split(key, 6)
    source = jax.random.randint(k1, (B, T), 0, V, dtype=jnp.int64 if jax.config.jax_enable_x64 else jnp.int32)
    emb_table = jax.random.normal(k2, (V, E), dtype=jnp.float32) * 0.02
    W_ih = jax.random.normal(k3, (H, E), dtype=jnp.float32) * (1.0 / np.sqrt(E))
    W_hh = jax.random.normal(k4, (H, H), dtype=jnp.float32) * (1.0 / np.sqrt(H))
    b_ih = jax.random.normal(k5, (H,), dtype=jnp.float32) * 0.01
    b_hh = jax.random.normal(k6, (H,), dtype=jnp.float32) * 0.01
    return {"source": source, "emb_table": emb_table, "W_ih": W_ih, "W_hh": W_hh, "b_ih": b_ih, "b_hh": b_hh}

def reference(source, emb_table, W_ih, W_hh, b_ih, b_hh):
    # embedding lookup (gather) -- dropout is identity in eval mode
    embedded = jnp.take(emb_table, source, axis=0)  # [B, T, E]
    x = jnp.transpose(embedded, (1, 0, 2))  # [T, B, E]
    h0 = jnp.zeros((source.shape[0], W_hh.shape[0]), dtype=jnp.float32)

    def step(h, x_t):
        h_new = jnp.tanh(x_t @ W_ih.T + b_ih + h @ W_hh.T + b_hh)
        return h_new, h_new

    h_final, _outputs = jax.lax.scan(step, h0, x)
    hidden = h_final[None, :, :]  # [num_layers=1, B, H]
    return hidden

if __name__ == "__main__":
    import jax
    _d = setup_inputs()
    print(jax.jit(kernel)(*tuple(_d.values())))

</pallas_src>

<mosaic_0001>
#map = affine_map<(d0, d1) -> (0, 0, 0)>
#map1 = affine_map<(d0, d1) -> (0, 0)>
module attributes {stable_mosaic.version = 14 : i64} {
  func.func @_gather_body(%arg0: i32, %arg1: i32, %arg2: memref<32x50x128xi32, #tpu.memory_space<hbm>>, %arg3: memref<1007616x64xf32, #tpu.memory_space<hbm>>, %arg4: memref<204800x128xf32, #tpu.memory_space<hbm>>, %arg5: memref<50x128xi32, #tpu.memory_space<vmem>>, %arg6: memref<128x64xf32, #tpu.memory_space<vmem>>, %arg7: memref<128x64xf32, #tpu.memory_space<vmem>>, %arg8: memref<!tpu.dma_semaphore, #tpu.memory_space<semaphore_mem>>, %arg9: memref<!tpu.dma_semaphore, #tpu.memory_space<semaphore_mem>>) attributes {dimension_semantics = [#tpu.dimension_semantics<core_parallel>, #tpu.dimension_semantics<subcore_parallel>], iteration_bounds = array<i64: 2, 16>, scalar_prefetch = 0 : i64, scratch_operands = 5 : i64, tpu.core_type = #tpu.core_type<sc_vector_subcore>, window_params = [{transform_indices = #map}, {transform_indices = #map1}, {transform_indices = #map1}]} {
    %mul3A = arith.constant 2 : i32
    %mul3A_0 = arith.muli %arg1, %mul3A : i32
    %add3A = arith.addi %mul3A_0, %arg0 : i32
    %mul3A_1 = arith.constant 6400 : i32
    %mul3A_2 = arith.muli %add3A, %mul3A_1 : i32
    "tpu.region"() ({
      %run_scoped3A = tpu.sem_alloc : memref<!tpu.dma_semaphore, #tpu.memory_space<semaphore_mem>>
      %dma_start3A_14 = arith.constant 0 : i32
      %dma_start3A_15 = arith.constant 0 : i32
      %dma_start3A_16 = tpu.memref_slice %arg2[%add3A, %dma_start3A_14, %dma_start3A_15] : memref<32x50x128xi32, #tpu.memory_space<hbm>> -> memref<1x50x128xi32, #tpu.memory_space<hbm>>
      %dma_start3A_17 = tpu.memref_squeeze %dma_start3A_16 : memref<1x50x128xi32, #tpu.memory_space<hbm>> -> memref<50x128xi32, #tpu.memory_space<hbm>>
      %dma_start3A_18 = arith.constant 0 : i32
      %dma_start3A_19 = arith.constant 0 : i32
      %dma_start3A_20 = tpu.memref_slice %arg2[%add3A, %dma_start3A_18, %dma_start3A_19] : memref<32x50x128xi32, #tpu.memory_space<hbm>> -> memref<1x50x128xi32, #tpu.memory_space<hbm>>
      %dma_start3A_21 = tpu.memref_squeeze %dma_start3A_20 : memref<1x50x128xi32, #tpu.memory_space<hbm>> -> memref<50x128xi32, #tpu.memory_space<hbm>>
      tpu.enqueue_dma source(%dma_start3A_21 : memref<50x128xi32, #tpu.memory_space<hbm>>) target(%arg5 : memref<50x128xi32, #tpu.memory_space<vmem>>) target_semaphore(%run_scoped3A : memref<!tpu.dma_semaphore, #tpu.memory_space<semaphore_mem>>)
      %dma_wait3A = arith.constant 0 : i32
      %dma_wait3A_22 = arith.constant 0 : i32
      %dma_wait3A_23 = tpu.memref_slice %arg2[%add3A, %dma_wait3A, %dma_wait3A_22] : memref<32x50x128xi32, #tpu.memory_space<hbm>> -> memref<1x50x128xi32, #tpu.memory_space<hbm>>
      %dma_wait3A_24 = tpu.memref_squeeze %dma_wait3A_23 : memref<1x50x128xi32, #tpu.memory_space<hbm>> -> memref<50x128xi32, #tpu.memory_space<hbm>>
      %dma_wait3A_25 = arith.constant 0 : i32
      %dma_wait3A_26 = arith.constant 0 : i32
      %dma_wait3A_27 = tpu.memref_slice %arg2[%add3A, %dma_wait3A_25, %dma_wait3A_26] : memref<32x50x128xi32, #tpu.memory_space<hbm>> -> memref<1x50x128xi32, #tpu.memory_space<hbm>>
      %dma_wait3A_28 = tpu.memref_squeeze %dma_wait3A_27 : memref<1x50x128xi32, #tpu.memory_space<hbm>> -> memref<50x128xi32, #tpu.memory_space<hbm>>
      tpu.wait_dma2 semaphore(%run_scoped3A : memref<!tpu.dma_semaphore, #tpu.memory_space<semaphore_mem>>) src(%dma_wait3A_28 : memref<50x128xi32, #tpu.memory_space<hbm>>) dst(%arg5 : memref<50x128xi32, #tpu.memory_space<vmem>>)
      tpu.yield
    }) : () -> ()
    %dma_start3A = arith.constant 0 : i32
    %dma_start3A_3 = arith.constant 0 : i32
    %dma_start3A_4 = tpu.memref_slice %arg5[%dma_start3A, %dma_start3A_3] : memref<50x128xi32, #tpu.memory_space<vmem>> -> memref<1x128xi32, #tpu.memory_space<vmem>>
    %dma_start3A_5 = tpu.memref_squeeze %dma_start3A_4 : memref<1x128xi32, #tpu.memory_space<vmem>> -> memref<128xi32, #tpu.memory_space<vmem>>
    %dma_start3A_6 = arith.constant 0 : i32
    %dma_start3A_7 = arith.constant 0 : i32
    %dma_start3A_8 = tpu.memref_slice %arg3[%dma_start3A_6, %dma_start3A_7] : memref<1007616x64xf32, #tpu.memory_space<hbm>> -> memref<1007616x64xf32, #tpu.memory_space<hbm>>
    tpu.enqueue_indirect_dma source(%dma_start3A_8 : memref<1007616x64xf32, #tpu.memory_space<hbm>>) target(%arg6 : memref<128x64xf32, #tpu.memory_space<vmem>>) offsets(%dma_start3A_5 : memref<128xi32, #tpu.memory_space<vmem>>) semaphore(%arg8 : memref<!tpu.dma_semaphore, #tpu.memory_space<semaphore_mem>>)
    %scan3A = arith.constant 0 : i32
    %scan3A_9 = arith.constant 0 : i32
    %scan3A_10 = arith.constant 25 : i32
    %scan3A_11 = arith.addi %scan3A_9, %scan3A_10 : i32
    %scan3A_12 = arith.constant 1 : i32
    scf.for %scan3A_14 = %scan3A_9 to %scan3A_11 step %scan3A_12  : i32 {
      %mul3A_15 = arith.constant 2 : i32
      %mul3A_16 = arith.muli %mul3A_15, %scan3A_14 : i32
      %add3A_17 = arith.constant 1 : i32
      %add3A_18 = arith.addi %mul3A_16, %add3A_17 : i32
      %dma_start3A_19 = arith.constant 0 : i32
      %dma_start3A_20 = tpu.memref_slice %arg5[%add3A_18, %dma_start3A_19] : memref<50x128xi32, #tpu.memory_space<vmem>> -> memref<1x128xi32, #tpu.memory_space<vmem>>
      %dma_start3A_21 = tpu.memref_squeeze %dma_start3A_20 : memref<1x128xi32, #tpu.memory_space<vmem>> -> memref<128xi32, #tpu.memory_space<vmem>>
      %dma_start3A_22 = arith.constant 0 : i32
      %dma_start3A_23 = arith.constant 0 : i32
      %dma_start3A_24 = tpu.memref_slice %arg3[%dma_start3A_22, %dma_start3A_23] : memref<1007616x64xf32, #tpu.memory_space<hbm>> -> memref<1007616x64xf32, #tpu.memory_space<hbm>>
      tpu.enqueue_indirect_dma source(%dma_start3A_24 : memref<1007616x64xf32, #tpu.memory_space<hbm>>) target(%arg7 : memref<128x64xf32, #tpu.memory_space<vmem>>) offsets(%dma_start3A_21 : memref<128xi32, #tpu.memory_space<vmem>>) semaphore(%arg9 : memref<!tpu.dma_semaphore, #tpu.memory_space<semaphore_mem>>)
      %dma_wait3A = arith.constant 0 : i32
      %dma_wait3A_25 = tpu.memref_slice %arg5[%mul3A_16, %dma_wait3A] : memref<50x128xi32, #tpu.memory_space<vmem>> -> memref<1x128xi32, #tpu.memory_space<vmem>>
      %dma_wait3A_26 = tpu.memref_squeeze %dma_wait3A_25 : memref<1x128xi32, #tpu.memory_space<vmem>> -> memref<128xi32, #tpu.memory_space<vmem>>
      %dma_wait3A_27 = arith.constant 0 : i32
      %dma_wait3A_28 = arith.constant 0 : i32
      %dma_wait3A_29 = tpu.memref_slice %arg3[%dma_wait3A_27, %dma_wait3A_28] : memref<1007616x64xf32, #tpu.memory_space<hbm>> -> memref<1007616x64xf32, #tpu.memory_space<hbm>>
      tpu.wait_indirect_dma semaphore(%arg8 : memref<!tpu.dma_semaphore, #tpu.memory_space<semaphore_mem>>) src(%dma_wait3A_29 : memref<1007616x64xf32, #tpu.memory_space<hbm>>) dst(%arg6 : memref<128x64xf32, #tpu.memory_space<vmem>>)
      %mul3A_30 = arith.constant 128 : i32
      %mul3A_31 = arith.muli %mul3A_16, %mul3A_30 : i32
      %add3A_32 = arith.addi %mul3A_2, %mul3A_31 : i32
      "tpu.region"() ({
        %run_scoped3A = tpu.sem_alloc : memref<!tpu.dma_semaphore, #tpu.memory_space<semaphore_mem>>
        %dma_start3A_50 = arith.constant 0 : i32
        %dma_start3A_51 = tpu.memref_slice %arg4[%add3A_32, %dma_start3A_50] : memref<204800x128xf32, #tpu.memory_space<hbm>> -> memref<128x64xf32, #tpu.memory_space<hbm>>
        %dma_start3A_52 = arith.constant 0 : i32
        %dma_start3A_53 = tpu.memref_slice %arg4[%add3A_32, %dma_start3A_52] : memref<204800x128xf32, #tpu.memory_space<hbm>> -> memref<128x64xf32, #tpu.memory_space<hbm>>
        tpu.enqueue_dma source(%arg6 : memref<128x64xf32, #tpu.memory_space<vmem>>) target(%dma_start3A_53 : memref<128x64xf32, #tpu.memory_space<hbm>>) target_semaphore(%run_scoped3A : memref<!tpu.dma_semaphore, #tpu.memory_space<semaphore_mem>>)
        %dma_wait3A_54 = arith.constant 0 : i32
        %dma_wait3A_55 = tpu.memref_slice %arg4[%add3A_32, %dma_wait3A_54] : memref<204800x128xf32, #tpu.memory_space<hbm>> -> memref<128x64xf32, #tpu.memory_space<hbm>>
        %dma_wait3A_56 = arith.constant 0 : i32
        %dma_wait3A_57 = tpu.memref_slice %arg4[%add3A_32, %dma_wait3A_56] : memref<204800x128xf32, #tpu.memory_space<hbm>> -> memref<128x64xf32, #tpu.memory_space<hbm>>
        tpu.wait_dma2 semaphore(%run_scoped3A : memref<!tpu.dma_semaphore, #tpu.memory_space<semaphore_mem>>) src(%arg6 : memref<128x64xf32, #tpu.memory_space<vmem>>) dst(%dma_wait3A_57 : memref<128x64xf32, #tpu.memory_space<hbm>>)
        tpu.yield
      }) : () -> ()
      %add3A_33 = arith.constant 1 : i32
      %add3A_34 = arith.addi %scan3A_14, %add3A_33 : i32
      %lt3A = arith.constant 25 : i32
      %lt3A_35 = arith.cmpi slt, %add3A_34, %lt3A : i32
      %convert_element_type3A = arith.extui %lt3A_35 : i1 to i32
      %cond3A = arith.constant 0 : i32
      %cond3A_36 = arith.cmpi ne, %convert_element_type3A, %cond3A : i32
      scf.if %cond3A_36 {
        %add3A_50 = arith.constant 2 : i32
        %add3A_51 = arith.addi %mul3A_16, %add3A_50 : i32
        %dma_start3A_52 = arith.constant 0 : i32
        %dma_start3A_53 = tpu.memref_slice %arg5[%add3A_51, %dma_start3A_52] : memref<50x128xi32, #tpu.memory_space<vmem>> -> memref<1x128xi32, #tpu.memory_space<vmem>>
        %dma_start3A_54 = tpu.memref_squeeze %dma_start3A_53 : memref<1x128xi32, #tpu.memory_space<vmem>> -> memref<128xi32, #tpu.memory_space<vmem>>
        %dma_start3A_55 = arith.constant 0 : i32
        %dma_start3A_56 = arith.constant 0 : i32
        %dma_start3A_57 = tpu.memref_slice %arg3[%dma_start3A_55, %dma_start3A_56] : memref<1007616x64xf32, #tpu.memory_space<hbm>> -> memref<1007616x64xf32, #tpu.memory_space<hbm>>
        tpu.enqueue_indirect_dma source(%dma_start3A_57 : memref<1007616x64xf32, #tpu.memory_space<hbm>>) target(%arg6 : memref<128x64xf32, #tpu.memory_space<vmem>>) offsets(%dma_start3A_54 : memref<128xi32, #tpu.memory_space<vmem>>) semaphore(%arg8 : memref<!tpu.dma_semaphore, #tpu.memory_space<semaphore_mem>>)
      } else {
      }
      %add3A_37 = arith.constant 1 : i32
      %add3A_38 = arith.addi %mul3A_16, %add3A_37 : i32
      %dma_wait3A_39 = arith.constant 0 : i32
      %dma_wait3A_40 = tpu.memref_slice %arg5[%add3A_38, %dma_wait3A_39] : memref<50x128xi32, #tpu.memory_space<vmem>> -> memref<1x128xi32, #tpu.memory_space<vmem>>
      %dma_wait3A_41 = tpu.memref_squeeze %dma_wait3A_40 : memref<1x128xi32, #tpu.memory_space<vmem>> -> memref<128xi32, #tpu.memory_space<vmem>>
      %dma_wait3A_42 = arith.constant 0 : i32
      %dma_wait3A_43 = arith.constant 0 : i32
      %dma_wait3A_44 = tpu.memref_slice %arg3[%dma_wait3A_42, %dma_wait3A_43] : memref<1007616x64xf32, #tpu.memory_space<hbm>> -> memref<1007616x64xf32, #tpu.memory_space<hbm>>
      tpu.wait_indirect_dma semaphore(%arg9 : memref<!tpu.dma_semaphore, #tpu.memory_space<semaphore_mem>>) src(%dma_wait3A_44 : memref<1007616x64xf32, #tpu.memory_space<hbm>>) dst(%arg7 : memref<128x64xf32, #tpu.memory_space<vmem>>)
      %add3A_45 = arith.constant 1 : i32
      %add3A_46 = arith.addi %mul3A_16, %add3A_45 : i32
      %mul3A_47 = arith.constant 128 : i32
      %mul3A_48 = arith.muli %add3A_46, %mul3A_47 : i32
      %add3A_49 = arith.addi %mul3A_2, %mul3A_48 : i32
      "tpu.region"() ({
        %run_scoped3A = tpu.sem_alloc : memref<!tpu.dma_semaphore, #tpu.memory_space<semaphore_mem>>
        %dma_start3A_50 = arith.constant 0 : i32
        %dma_start3A_51 = tpu.memref_slice %arg4[%add3A_49, %dma_start3A_50] : memref<204800x128xf32, #tpu.memory_space<hbm>> -> memref<128x64xf32, #tpu.memory_space<hbm>>
        %dma_start3A_52 = arith.constant 0 : i32
        %dma_start3A_53 = tpu.memref_slice %arg4[%add3A_49, %dma_start3A_52] : memref<204800x128xf32, #tpu.memory_space<hbm>> -> memref<128x64xf32, #tpu.memory_space<hbm>>
        tpu.enqueue_dma source(%arg7 : memref<128x64xf32, #tpu.memory_space<vmem>>) target(%dma_start3A_53 : memref<128x64xf32, #tpu.memory_space<hbm>>) target_semaphore(%run_scoped3A : memref<!tpu.dma_semaphore, #tpu.memory_space<semaphore_mem>>)
        %dma_wait3A_54 = arith.constant 0 : i32
        %dma_wait3A_55 = tpu.memref_slice %arg4[%add3A_49, %dma_wait3A_54] : memref<204800x128xf32, #tpu.memory_space<hbm>> -> memref<128x64xf32, #tpu.memory_space<hbm>>
        %dma_wait3A_56 = arith.constant 0 : i32
        %dma_wait3A_57 = tpu.memref_slice %arg4[%add3A_49, %dma_wait3A_56] : memref<204800x128xf32, #tpu.memory_space<hbm>> -> memref<128x64xf32, #tpu.memory_space<hbm>>
        tpu.wait_dma2 semaphore(%run_scoped3A : memref<!tpu.dma_semaphore, #tpu.memory_space<semaphore_mem>>) src(%arg7 : memref<128x64xf32, #tpu.memory_space<vmem>>) dst(%dma_wait3A_57 : memref<128x64xf32, #tpu.memory_space<hbm>>)
        tpu.yield
      }) : () -> ()
    }
    %scan3A_13 = arith.constant 25 : i32
    return
  }
}

module attributes {stable_mosaic.version = 14 : i64} {
  func.func @_tp_body(%arg0: i32, %arg1: memref<64x8192xf32, #tpu.memory_space<vmem>>, %arg2: memref<4096x128xf32, #tpu.memory_space<vmem>>) attributes {dimension_semantics = [#tpu.dimension_semantics<arbitrary>], iteration_bounds = array<i64: 123>, scalar_prefetch = 0 : i64, scratch_operands = 0 : i64, tpu.core_type = #tpu.core_type<tc>, window_params = [{transform_indices = @transform_0, window_bounds = array<i64: 64, 8192>}, {transform_indices = @transform_1, window_bounds = array<i64: 4096, 128>}]} {
    %get3A = arith.constant 0 : index
    %get3A_0 = arith.constant 0 : index
    %get3A_1 = vector.load %arg1[%get3A, %get3A_0] : memref<64x8192xf32, #tpu.memory_space<vmem>>, vector<64x8192xf32>
    %slice3A = vector.extract_strided_slice %get3A_1 {offsets = [0, 0], sizes = [64, 4096], strides = [1, 1]} : vector<64x8192xf32> to vector<64x4096xf32>
    %slice3A_2 = vector.extract_strided_slice %get3A_1 {offsets = [0, 4096], sizes = [64, 4096], strides = [1, 1]} : vector<64x8192xf32> to vector<64x4096xf32>
    %concatenate3A = tpu.concatenate %slice3A, %slice3A_2 in 0 : vector<64x4096xf32>, vector<64x4096xf32> -> vector<128x4096xf32>
    %transpose3A = tpu.transpose %concatenate3A, [1, 0] : vector<128x4096xf32> -> vector<4096x128xf32>
    %swap3A = arith.constant 0 : index
    %swap3A_3 = arith.constant 0 : index
    %swap3A_4 = vector.load %arg2[%swap3A, %swap3A_3] : memref<4096x128xf32, #tpu.memory_space<vmem>>, vector<4096x128xf32>
    tpu.vector_store %arg2[%swap3A, %swap3A_3], %transpose3A {strides = array<i32>} : memref<4096x128xf32, #tpu.memory_space<vmem>>, vector<4096x128xf32>,
    return
  }
  func.func @transform_0(%arg0: i32) -> (i32, i32) {
    %c0_i32 = arith.constant 0 : i32
    %c0_i32_0 = arith.constant 0 : i32
    return %c0_i32, %arg0 : i32, i32
  }
  func.func @transform_1(%arg0: i32) -> (i32, i32) {
    %c0_i32 = arith.constant 0 : i32
    %c0_i32_0 = arith.constant 0 : i32
    return %arg0, %c0_i32 : i32, i32
  }
}

module attributes {stable_mosaic.version = 14 : i64} {
  func.func @_rnn_body(%arg0: i32, %arg1: memref<4x1024x128xf32, #tpu.memory_space<vmem>>, %arg2: memref<64x128xf32, #tpu.memory_space<vmem>>, %arg3: memref<128x128xf32, #tpu.memory_space<vmem>>, %arg4: memref<1x128xf32, #tpu.memory_space<vmem>>, %arg5: memref<1024x128xf32, #tpu.memory_space<vmem>>, %arg6: memref<1024x128xf32, #tpu.memory_space<vmem>>) attributes {dimension_semantics = [#tpu.dimension_semantics<arbitrary>], iteration_bounds = array<i64: 50>, scalar_prefetch = 0 : i64, scratch_operands = 1 : i64, tpu.core_type = #tpu.core_type<tc>, window_params = [{transform_indices = @transform_0, window_bounds = array<i64: 4, 1024, 128>}, {pipeline_mode = #tpu.pipeline_mode<synchronous>, transform_indices = @transform_1, window_bounds = array<i64: 64, 128>}, {pipeline_mode = #tpu.pipeline_mode<synchronous>, transform_indices = @transform_2, window_bounds = array<i64: 128, 128>}, {pipeline_mode = #tpu.pipeline_mode<synchronous>, transform_indices = @transform_3, window_bounds = array<i64: 1, 128>}, {pipeline_mode = #tpu.pipeline_mode<synchronous>, transform_indices = @transform_4, window_bounds = array<i64: 1024, 128>}]} {
    %eq3A = arith.constant 0 : i32
    %eq3A_0 = arith.cmpi eq, %arg0, %eq3A : i32
    %convert_element_type3A = arith.extui %eq3A_0 : i1 to i32
    %cond3A = arith.constant 0 : i32
    %cond3A_1 = arith.cmpi ne, %convert_element_type3A, %cond3A : i32
    scf.if %cond3A_1 {
      %broadcast_in_dim3A = arith.constant 0.000000e+00 : f32
      %broadcast_in_dim3A_72 = vector.broadcast %broadcast_in_dim3A : f32 to vector<1024x128xf32>
      %swap3A_73 = arith.constant 0 : index
      %swap3A_74 = arith.constant 0 : index
      %swap3A_75 = vector.load %arg6[%swap3A_73, %swap3A_74] : memref<1024x128xf32, #tpu.memory_space<vmem>>, vector<1024x128xf32>
      tpu.vector_store %arg6[%swap3A_73, %swap3A_74], %broadcast_in_dim3A_72 {strides = array<i32>} : memref<1024x128xf32, #tpu.memory_space<vmem>>, vector<1024x128xf32>,
    } else {
    }
    %get3A = arith.constant 0 : index
    %get3A_2 = arith.constant 0 : index
    %get3A_3 = vector.load %arg6[%get3A, %get3A_2] : memref<1024x128xf32, #tpu.memory_space<vmem>>, vector<1024x128xf32>
    %get3A_4 = arith.constant 0 : index
    %get3A_5 = arith.constant 0 : index
    %get3A_6 = vector.load %arg2[%get3A_4, %get3A_5] : memref<64x128xf32, #tpu.memory_space<vmem>>, vector<64x128xf32>
    %get3A_7 = arith.constant 0 : index
    %get3A_8 = arith.constant 0 : index
    %get3A_9 = vector.load %arg3[%get3A_7, %get3A_8] : memref<128x128xf32, #tpu.memory_space<vmem>>, vector<128x128xf32>
    %get3A_10 = arith.constant 0 : index
    %get3A_11 = arith.constant 0 : index
    %get3A_12 = vector.load %arg4[%get3A_10, %get3A_11] : memref<1x128xf32, #tpu.memory_space<vmem>>, vector<1x128xf32>
    %get3A_13 = arith.constant 0 : index
    %get3A_14 = arith.constant 0 : index
    %get3A_15 = arith.constant 0 : index
    %get3A_16 = vector.load %arg1[%get3A_13, %get3A_14, %get3A_15] : memref<4x1024x128xf32, #tpu.memory_space<vmem>>, vector<1x1024x128xf32>
    %get3A_17 = vector.shape_cast %get3A_16 : vector<1x1024x128xf32> to vector<1024x128xf32>
    %slice3A = vector.extract_strided_slice %get3A_17 {offsets = [0, 0], sizes = [1024, 64], strides = [1, 1]} : vector<1024x128xf32> to vector<1024x64xf32>
    %dot_general3A = arith.constant dense<0.000000e+00> : vector<1024x128xf32>
    %dot_general3A_18 = tpu.matmul %slice3A, %get3A_6, %dot_general3A {dimension_numbers = #tpu.dot_dimension_numbers<[1], [0], [0], [1], [0, 0, 1, 1], [], []>, transpose_lhs_hint = false} : vector<1024x64xf32>, vector<64x128xf32>, vector<1024x128xf32> -> vector<1024x128xf32>
    %dot_general3A_19 = arith.constant dense<0.000000e+00> : vector<1024x128xf32>
    %dot_general3A_20 = tpu.matmul %get3A_3, %get3A_9, %dot_general3A_19 {dimension_numbers = #tpu.dot_dimension_numbers<[1], [0], [0], [1], [0, 0, 1, 1], [], []>, transpose_lhs_hint = false} : vector<1024x128xf32>, vector<128x128xf32>, vector<1024x128xf32> -> vector<1024x128xf32>
    %add3A = arith.addf %dot_general3A_18, %dot_general3A_20 : vector<1024x128xf32>
    %add3A_21 = vector.broadcast %get3A_12 : vector<1x128xf32> to vector<1024x128xf32>
    %add3A_22 = arith.addf %add3A, %add3A_21 : vector<1024x128xf32>
    %tanh3A = math.tanh %add3A_22 : vector<1024x128xf32>
    %get3A_23 = arith.constant 1 : index
    %get3A_24 = arith.constant 0 : index
    %get3A_25 = arith.constant 0 : index
    %get3A_26 = vector.load %arg1[%get3A_23, %get3A_24, %get3A_25] : memref<4x1024x128xf32, #tpu.memory_space<vmem>>, vector<1x1024x128xf32>
    %get3A_27 = vector.shape_cast %get3A_26 : vector<1x1024x128xf32> to vector<1024x128xf32>
    %slice3A_28 = vector.extract_strided_slice %get3A_27 {offsets = [0, 0], sizes = [1024, 64], strides = [1, 1]} : vector<1024x128xf32> to vector<1024x64xf32>
    %dot_general3A_29 = arith.constant dense<0.000000e+00> : vector<1024x128xf32>
    %dot_general3A_30 = tpu.matmul %slice3A_28, %get3A_6, %dot_general3A_29 {dimension_numbers = #tpu.dot_dimension_numbers<[1], [0], [0], [1], [0, 0, 1, 1], [], []>, transpose_lhs_hint = false} : vector<1024x64xf32>, vector<64x128xf32>, vector<1024x128xf32> -> vector<1024x128xf32>
    %dot_general3A_31 = arith.constant dense<0.000000e+00> : vector<1024x128xf32>
    %dot_general3A_32 = tpu.matmul %tanh3A, %get3A_9, %dot_general3A_31 {dimension_numbers = #tpu.dot_dimension_numbers<[1], [0], [0], [1], [0, 0, 1, 1], [], []>, transpose_lhs_hint = false} : vector<1024x128xf32>, vector<128x128xf32>, vector<1024x128xf32> -> vector<1024x128xf32>
    %add3A_33 = arith.addf %dot_general3A_30, %dot_general3A_32 : vector<1024x128xf32>
    %add3A_34 = vector.broadcast %get3A_12 : vector<1x128xf32> to vector<1024x128xf32>
    %add3A_35 = arith.addf %add3A_33, %add3A_34 : vector<1024x128xf32>
    %tanh3A_36 = math.tanh %add3A_35 : vector<1024x128xf32>
    %get3A_37 = arith.constant 2 : index
    %get3A_38 = arith.constant 0 : index
    %get3A_39 = arith.constant 0 : index
    %get3A_40 = vector.load %arg1[%get3A_37, %get3A_38, %get3A_39] : memref<4x1024x128xf32, #tpu.memory_space<vmem>>, vector<1x1024x128xf32>
    %get3A_41 = vector.shape_cast %get3A_40 : vector<1x1024x128xf32> to vector<1024x128xf32>
    %slice3A_42 = vector.extract_strided_slice %get3A_41 {offsets = [0, 0], sizes = [1024, 64], strides = [1, 1]} : vector<1024x128xf32> to vector<1024x64xf32>
    %dot_general3A_43 = arith.constant dense<0.000000e+00> : vector<1024x128xf32>
    %dot_general3A_44 = tpu.matmul %slice3A_42, %get3A_6, %dot_general3A_43 {dimension_numbers = #tpu.dot_dimension_numbers<[1], [0], [0], [1], [0, 0, 1, 1], [], []>, transpose_lhs_hint = false} : vector<1024x64xf32>, vector<64x128xf32>, vector<1024x128xf32> -> vector<1024x128xf32>
    %dot_general3A_45 = arith.constant dense<0.000000e+00> : vector<1024x128xf32>
    %dot_general3A_46 = tpu.matmul %tanh3A_36, %get3A_9, %dot_general3A_45 {dimension_numbers = #tpu.dot_dimension_numbers<[1], [0], [0], [1], [0, 0, 1, 1], [], []>, transpose_lhs_hint = false} : vector<1024x128xf32>, vector<128x128xf32>, vector<1024x128xf32> -> vector<1024x128xf32>
    %add3A_47 = arith.addf %dot_general3A_44, %dot_general3A_46 : vector<1024x128xf32>
    %add3A_48 = vector.broadcast %get3A_12 : vector<1x128xf32> to vector<1024x128xf32>
    %add3A_49 = arith.addf %add3A_47, %add3A_48 : vector<1024x128xf32>
    %tanh3A_50 = math.tanh %add3A_49 : vector<1024x128xf32>
    %get3A_51 = arith.constant 3 : index
    %get3A_52 = arith.constant 0 : index
    %get3A_53 = arith.constant 0 : index
    %get3A_54 = vector.load %arg1[%get3A_51, %get3A_52, %get3A_53] : memref<4x1024x128xf32, #tpu.memory_space<vmem>>, vector<1x1024x128xf32>
    %get3A_55 = vector.shape_cast %get3A_54 : vector<1x1024x128xf32> to vector<1024x128xf32>
    %slice3A_56 = vector.extract_strided_slice %get3A_55 {offsets = [0, 0], sizes = [1024, 64], strides = [1, 1]} : vector<1024x128xf32> to vector<1024x64xf32>
    %dot_general3A_57 = arith.constant dense<0.000000e+00> : vector<1024x128xf32>
    %dot_general3A_58 = tpu.matmul %slice3A_56, %get3A_6, %dot_general3A_57 {dimension_numbers = #tpu.dot_dimension_numbers<[1], [0], [0], [1], [0, 0, 1, 1], [], []>, transpose_lhs_hint = false} : vector<1024x64xf32>, vector<64x128xf32>, vector<1024x128xf32> -> vector<1024x128xf32>
    %dot_general3A_59 = arith.constant dense<0.000000e+00> : vector<1024x128xf32>
    %dot_general3A_60 = tpu.matmul %tanh3A_50, %get3A_9, %dot_general3A_59 {dimension_numbers = #tpu.dot_dimension_numbers<[1], [0], [0], [1], [0, 0, 1, 1], [], []>, transpose_lhs_hint = false} : vector<1024x128xf32>, vector<128x128xf32>, vector<1024x128xf32> -> vector<1024x128xf32>
    %add3A_61 = arith.addf %dot_general3A_58, %dot_general3A_60 : vector<1024x128xf32>
    %add3A_62 = vector.broadcast %get3A_12 : vector<1x128xf32> to vector<1024x128xf32>
    %add3A_63 = arith.addf %add3A_61, %add3A_62 : vector<1024x128xf32>
    %tanh3A_64 = math.tanh %add3A_63 : vector<1024x128xf32>
    %swap3A = arith.constant 0 : index
    %swap3A_65 = arith.constant 0 : index
    %swap3A_66 = vector.load %arg6[%swap3A, %swap3A_65] : memref<1024x128xf32, #tpu.memory_space<vmem>>, vector<1024x128xf32>
    tpu.vector_store %arg6[%swap3A, %swap3A_65], %tanh3A_64 {strides = array<i32>} : memref<1024x128xf32, #tpu.memory_space<vmem>>, vector<1024x128xf32>,
    %eq3A_67 = arith.constant 49 : i32
    %eq3A_68 = arith.cmpi eq, %arg0, %eq3A_67 : i32
    %convert_element_type3A_69 = arith.extui %eq3A_68 : i1 to i32
    %cond3A_70 = arith.constant 0 : i32
    %cond3A_71 = arith.cmpi ne, %convert_element_type3A_69, %cond3A_70 : i32
    scf.if %cond3A_71 {
      %swap3A_72 = arith.constant 0 : index
      %swap3A_73 = arith.constant 0 : index
      %swap3A_74 = vector.load %arg5[%swap3A_72, %swap3A_73] : memref<1024x128xf32, #tpu.memory_space<vmem>>, vector<1024x128xf32>
      tpu.vector_store %arg5[%swap3A_72, %swap3A_73], %tanh3A_64 {strides = array<i32>} : memref<1024x128xf32, #tpu.memory_space<vmem>>, vector<1024x128xf32>,
    } else {
    }
    return
  }
  func.func @transform_0(%arg0: i32) -> (i32, i32, i32) {
    %c0_i32 = arith.constant 0 : i32
    %c0_i32_0 = arith.constant 0 : i32
    %c0_i32_1 = arith.constant 0 : i32
    return %arg0, %c0_i32, %c0_i32_0 : i32, i32, i32
  }
  func.func @transform_1(%arg0: i32) -> (i32, i32) {
    %c0_i32 = arith.constant 0 : i32
    %c0_i32_0 = arith.constant 0 : i32
    %c0_i32_1 = arith.constant 0 : i32
    return %c0_i32, %c0_i32_0 : i32, i32
  }
  func.func @transform_2(%arg0: i32) -> (i32, i32) {
    %c0_i32 = arith.constant 0 : i32
    %c0_i32_0 = arith.constant 0 : i32
    %c0_i32_1 = arith.constant 0 : i32
    return %c0_i32, %c0_i32_0 : i32, i32
  }
  func.func @transform_3(%arg0: i32) -> (i32, i32) {
    %c0_i32 = arith.constant 0 : i32
    %c0_i32_0 = arith.constant 0 : i32
    %c0_i32_1 = arith.constant 0 : i32
    return %c0_i32, %c0_i32_0 : i32, i32
  }
  func.func @transform_4(%arg0: i32) -> (i32, i32) {
    %c0_i32 = arith.constant 0 : i32
    %c0_i32_0 = arith.constant 0 : i32
    %c0_i32_1 = arith.constant 0 : i32
    return %c0_i32, %c0_i32_0 : i32, i32
  }
}

</mosaic_0001>

<sc_bundles>
// kernel: kernel.5.cloned.1.call-start
scs
__scs_entry_jumppad:
0x0: {  	(pc) =	sbr.rel $0x88, $3  }
0x1: {  	(tag) =	ssettag $0x0;
	lr =	simm.s32 $0x1  }
0x2: {  	[smem:$0x3F9B] =	sst lr;
	_ =	strace $0xD0000000  }
0x3: {  	_ = 	snop  }
0x4: {  	_ = 	snop  }
0x5: {  	_ = 	snop  }
0x6: {  	_ = 	snop  }
0x7: {  	_ = 	snop  }
__scs_overlays_trampoline_lowered:
0x8: {  	[smem:$0x3FAA] =	sst s0  }
0x9: {  	[smem:$0x3FAB] =	sst s1  }
0xa: {  	[smem:$0x3FAC] =	sst s2  }
0xb: {  	[smem:$0x3FAD] =	sst s3  }
0xc: {  	[smem:$0x3FAE] =	sst s4  }
0xd: {  	[smem:$0x3FAF] =	sst s5  }
0xe: {  	[smem:$0x3FB0] =	sst s6  }
0xf: {  	[smem:$0x3FB1] =	sst s7  }
0x10: {  	[smem:$0x3FB2] =	sst s8  }
0x11: {  	[smem:$0x3FB3] =	sst s9;
	s0 =	simm.s32 @!p0 $0x0  }
0x12: {  	s1 =	sld [smem:$0x3F99];
	s0 =	simm.s32 @p0 $0x1  }
0x13: {  	[smem:$0x3FB4] =	sst s0;
	s0 =	simm.s32 @!p1 $0x0  }
0x14: {  	s2 =	sld [smem:$0x3F98];
	s0 =	simm.s32 @p1 $0x1  }
0x15: {  	[smem:$0x3FB5] =	sst s0;
	s0 =	simm.s32 @!p2 $0x0  }
0x16: {  	s3 =	sld [smem:$0x3FDB];
	s0 =	simm.s32 @p2 $0x1  }
0x17: {  	s4 =	simm.s32 $0x1BF5;
	[smem:$0x3FB7] =	sst s0  }
0x18: {  	s0 =	sld [smem:$0x3F9A];
	_ =	swait.ge [sflag:s4], $0x0  }
0x19: {  	s7 =	sld [smem:$0x3F9B]  }
0x1a: {  	s8 =	sadd.s32 $0xFFFFE003, lr  }
0x1b: {  	s9 =	sadd.s32 $0xFFFFFEF7, lr;
	s5 =	simm.s32 $0xFFFFFFFF;
	p2 =	slt.u32 s8, $0xFFFFF086  }
0x1c: {  	p1 =	slt.u32 s9, $0xF7A;
	s5 =	simm.s32 @!p2 $0x0  }
0x1d: {  	s5 =	simm.s32 @p1 $0x1;
	p0 =	seq.s32 s7, s2  }
0x1e: {  	s7 =	smul.u32 @!p0 $0xF7A, s2;
	p2 =	seq.s32 @!p0 s5, $0x0  }
0x1f: {  	s9 =	smul.u32 $0xF7A, s1;
	s8 =	simm.s32 @!p0 $0x1BF5;
	p2 =	por !p2, p0  }
0x20: {  	[sflag:s8] =	ssyncset.s32 @!p0 $0xFFFFF086;
	s6 =	sadd.s32 @!p0 s3, s7;
	s7 =	simm.s32 @!p0 $0x108  }
0x21: {  	s3 =	sadd.s32 s3, s9;
	s6 =	sadd.s32 @!p0 $0x88, s6;
	s7 =	simm.s32 @p2 $0x1082  }
0x22: {  	[simem:s7], [sflag:s8] =	dma.local @!p0 [hbm:s6], $0xF7A  }
0x23: {  	s9 =	sor.u32 $0xD0000000, s2;
	s6 =	simm.s32 $0x108;
	_ =	swait.ge @!p0 [sflag:s8], $0x0  }
0x24: {  	s3 =	sadd.s32 $0x88, s3;
	s6 =	simm.s32 @!p1 $0x1082;
	[sflag:s4] =	ssyncset.s32 $0xFFFFF086  }
0x25: {  	[simem:s6], [sflag:s4] =	dma.local [hbm:s3], $0xF7A  }
0x26: {  	[smem:$0x3F9B] =	sst s1;
	(tag) =	ssettag s2;
	_ =	strace s9  }
0x27: {  	s1 =	sld [smem:$0x3FAB]  }
0x28: {  	s2 =	sld [smem:$0x3FAC]  }
0x29: {  	s4 =	sld [smem:$0x3FAE]  }
0x2a: {  	p0 =	seq.s32 s5, $0x0;
	s5 =	sld [smem:$0x3FAF]  }
0x2b: {  	s6 =	sld [smem:$0x3FB0]  }
0x2c: {  	s7 =	sld [smem:$0x3FB1]  }
0x2d: {  	s3 =	simm.s32 $0x108;
	s8 =	sld [smem:$0x3FB2]  }
0x2e: {  	s3 =	simm.s32 @!p0 $0x1082;
	s9 =	sld [smem:$0x3FB3]  }
0x2f: {  	lr =	sadd.s32 s0, s3;
	s0 =	sld [smem:$0x3FAA]  }
0x30: {  	s3 =	sld [smem:$0x3FAD]  }
0x31: {  	[smem:$0x3FB6] =	sst s10  }
0x32: {  	s10 =	sld [smem:$0x3FB4];
	_ =	sdelay $0x3  }
0x33: {  	p0 =	seq.s32 s10, $0x1;
	s10 =	sld [smem:$0x3FB6];
	_ =	sdelay $0x3  }
0x34: {  	[smem:$0x3FB6] =	sst s10  }
0x35: {  	s10 =	sld [smem:$0x3FB5];
	_ =	sdelay $0x3  }
0x36: {  	p1 =	seq.s32 s10, $0x1;
	s10 =	sld [smem:$0x3FB6];
	_ =	sdelay $0x3  }
0x37: {  	[smem:$0x3FB6] =	sst s10  }
0x38: {  	s10 =	sld [smem:$0x3FB7]  }
0x39: {  	_ = 	snop;
	(pc) =	sbr.ind lr, $3  }
0x3a: {  	_ = 	snop  }
0x3b: {  	_ = 	snop  }
0x3c: {  	p2 =	seq.s32 s10, $0x1;
	s10 =	sld [smem:$0x3FB6]  }
0x3d: {  	_ =	shalt  }
0x3e: {  	_ =	shalt  }
0x3f: {  	_ =	shalt  }
0x40: {  	_ =	shalt  }
0x41: {  	_ =	shalt  }
0x42: {  	_ =	shalt  }
0x43: {  	_ =	shalt  }
0x44: {  	_ =	shalt  }
0x45: {  	_ =	shalt  }
0x46: {  	_ =	shalt  }
0x47: {  	_ =	shalt  }
0x48: {  	_ =	shalt  }
0x49: {  	_ =	shalt  }
0x4a: {  	_ =	shalt  }
0x4b: {  	_ =	shalt  }
0x4c: {  	_ =	shalt  }
0x4d: {  	_ =	shalt  }
0x4e: {  	_ =	shalt  }
0x4f: {  	_ =	shalt  }
0x50: {  	_ =	shalt  }
0x51: {  	_ =	shalt  }
0x52: {  	_ =	shalt  }
0x53: {  	_ =	shalt  }
0x54: {  	_ =	shalt  }
0x55: {  	_ =	shalt  }
0x56: {  	_ =	shalt  }
0x57: {  	_ =	shalt  }
0x58: {  	_ =	shalt  }
0x59: {  	_ =	shalt  }
0x5a: {  	_ =	shalt  }
0x5b: {  	_ =	shalt  }
0x5c: {  	_ =	shalt  }
0x5d: {  	_ =	shalt  }
0x5e: {  	_ =	shalt  }
0x5f: {  	_ =	shalt  }
0x60: {  	_ =	shalt  }
0x61: {  	_ =	shalt  }
0x62: {  	_ =	shalt  }
0x63: {  	_ =	shalt  }
0x64: {  	_ =	shalt  }
0x65: {  	_ =	shalt  }
0x66: {  	_ =	shalt  }
0x67: {  	_ =	shalt  }
0x68: {  	_ =	shalt  }
0x69: {  	_ =	shalt  }
0x6a: {  	_ =	shalt  }
0x6b: {  	_ =	shalt  }
0x6c: {  	_ =	shalt  }
0x6d: {  	_ =	shalt  }
0x6e: {  	_ =	shalt  }
0x6f: {  	_ =	shalt  }
0x70: {  	_ =	shalt  }
0x71: {  	_ =	shalt  }
0x72: {  	_ =	shalt  }
0x73: {  	_ =	shalt  }
0x74: {  	_ =	shalt  }
0x75: {  	_ =	shalt  }
0x76: {  	_ =	shalt  }
0x77: {  	_ =	shalt  }
0x78: {  	_ =	shalt  }
0x79: {  	_ =	shalt  }
0x7a: {  	_ =	shalt  }
0x7b: {  	_ =	shalt  }
0x7c: {  	_ =	shalt  }
0x7d: {  	_ =	shalt  }
0x7e: {  	_ =	shalt  }
0x7f: {  	_ =	shalt  }
0x80: {  	_ =	shalt  }
0x81: {  	_ =	shalt  }
0x82: {  	_ =	shalt  }
0x83: {  	_ =	shalt  }
0x84: {  	_ =	shalt  }
0x85: {  	_ =	shalt  }
0x86: {  	_ =	shalt  }
0x87: {  	_ =	shalt  }
.Lfunc_end0:
.L_simem_size_0:
called_computation_lowered:
.L_overlay_start_0:
0x88: {  	s2 =	sld [smem:$0x3FD9]  }
0x89: {  	s3 =	sld [smem:$0x3FFE];
	_ =	sdelay $0x1  }
0x8a: {  	s1 =	srdreg.scid  }
0x8b: {  	s0 =	sand.u32 $0x1, s1  }
0x8c: {  	s16 =	sshll.u32 s0, $0xA;
	s2 =	sadd.s32 s3, s2  }
0x8d: {  	s2 =	sadd.s32 s2, s16  }
0x8e: {  	[smem:$0x3FC2] =	sst s2  }
0x8f: {  	_ = 	snop  }
0x90: {  	(tm) =	ssettm $0x1  }
0x91: {  	s17 =	sld [smem:$0x3FFB];
	_ =	sdelay $0x3  }
0x92: {  	_ =	strace s17  }
0x93: {  	s2 =	sld [smem:$0x3FFC];
	_ =	sdelay $0x3  }
0x94: {  	_ =	strace s2  }
0x95: {  	s2 =	sld [smem:$0x3FFD];
	_ =	sdelay $0x3  }
0x96: {  	_ =	strace s2  }
0x97: {  	_ =	strace $0x8FFFFFFF  }
0x98: {  	s18 =	sld [smem:$0x3FDB];
	_ =	sdelay $0x1  }
0x99: {  	s19 =	simm.s32 $_scs_section_size  }
0x9a: {  	s4 =	simm.s32 $_size__tile_overlayer_lowered;
	s5 =	simm.s32 $_tile_overlayer_lowered  }
0x9b: {  	s22 =	simm.s32 $0x1BFF;
	s21 =	sshll.u32 s5, $0x1;
	s2 =	sadd.s32 s19, s18  }
0x9c: {  	s6 =	simm.s32 $0x0;
	s20 =	sshll.u32 s4, $0x1;
	s4 =	sadd.s32 s21, s2  }
0x9d: {  	[timem:s6], [sflag:s22] =	dma.local [hbm:s4], s20  }
0x9e: {  	_ =	swait.ge [sflag:s22], s20  }
0x9f: {  	s3 =	ssub.s32 $0x0, s20;
	[sflag:s22] =	ssyncset.done $0x0  }
0xa0: {  	[sflag:s22] =	ssyncadd.s32 s3;
	_ =	sdelay $0x1  }
0xa1: {  	s23 =	simm.s32 $0x1B8B  }
0xa2: {  	_ =	swait.ge [sflag:s23], $0x1  }
0xa3: {  	[sflag:s23] =	ssyncset.done $0x0  }
0xa4: {  	s25 =	simm.s32 $0x1B8E;
	s24 =	sld [smem:$0x3FFE];
	[sflag:s23] =	ssyncadd.s32 $0xFFFFFFFF  }
0xa5: {  	s26 =	simm.s32 $execute0_lowered;
	[smem:$0x3FD2] =	sst s25  }
0xa6: {  	s4 =	sshll.u32 s26, $0x1;
	_ =	strace $0x80000046;
	[dreg:$0x1] =	wrdreg $0xFFFFFFFF  }
0xa7: {  	s28 =	simm.s32 $_size_execute0_lowered;
	s2 =	sadd.s32 s2, s4;
	[dreg:$0x0] =	wrdreg $0x0  }
0xa8: {  	s4 =	sshll.u32 s28, $0x1;
	[dreg:$0x2] =	wrdreg s2  }
0xa9: {  	[dreg:$0x3] =	wrdreg s4  }
0xaa: {  	[dreg:$0x4] =	wrdreg $0xC0  }
0xab: {  	_ =	task [dreg:s6], $0x5FFFF  }
0xac: {  	[dreg:$0x1] =	wrdreg $0xFFFFFFFF  }
0xad: {  	[dreg:$0x0] =	wrdreg $0x60  }
0xae: {  	[dreg:$0x2] =	wrdreg s24  }
0xaf: {  	[dreg:$0x3] =	wrdreg $0x9  }
0xb0: {  	_ =	task.clear_ibuf [dreg:s6], $0x4FFFF;
	_ =	strace $0x90000046  }
0xb1: {  	s29 =	simm.s32 $0x9;
	_ =	strace $0x80000048  }
0xb2: {  	_ =	swait.ge [sflag:s29], $0x1  }
0xb3: {  	[sflag:s29] =	ssyncadd.s32 $0xFFFFFFFF  }
0xb4: {  	_ =	strace $0x90000048  }
0xb5: {  	_ =	sfence  }
0xb6: {  	s30 =	sld [smem:$0x0];
	_ =	sdelay $0x2  }
0xb7: {  	s31 =	sshll.u32 s1, $0xD;
	s1 =	sshrl.u32 s1, $0x2  }
0xb8: {  	s3 =	sand.u32 $0x4000, s31;
	s1 =	sadd.s32 s1, s30  }
0xb9: {  	s0 =	sor.u32 s3, s0;
	s1 =	sshll.u32 s1, $0x11  }
0xba: {  	s0 =	sor.u32 s1, s0  }
0xbb: {  	s0 =	sadd.s32 $0x8F2B, s0  }
0xbc: {  	[sflag:s0] =	ssyncadd.remote.s32 $0x1  }
0xbd: {  	_ =	sfence.sel $0xFFFF  }
0xbe: {  	[dreg:$0x0] =	wrdreg $0xFFFFFFFF;
	(pc) =	sbr.abs _section_cstart, $3  }
0xbf: {  	[dreg:$0x1] =	wrdreg $0xFFFFFFFF  }
0xc0: {  	_ =	task.clear_ibuf [dreg:s6], $0x2FFFF;
	_ =	strace $0x9FFFFFFF  }
0xc1: {  	(tm) =	ssettm $0x7FFFFFFF  }
tec
execute0_lowered:
.L_overlay_start_1:
0x0: {  	(tag) =	ssettag $0x1  }
0x1: {  	s1 =	srdreg.scid;
	s0 =	stileid.u32  }
0x2: {  	s4 =	rddreg [dreg:$0x0];
	s2 =	simm.s32 $0x0;
	s14 =	simm.s32 $0x1  }
0x3: {  	s15 =	simm.s32 $0x40;
	s16 =	simm.s32 $0x2;
	s10 =	smul.u32 $0x190000, s0  }
0x4: {  	s17 =	simm.s32 $0x1880;
	s6 =	sand.u32 $0x1, s1;
	s12 =	smul.u32 $0x3200, s0  }
0x5: {  	s18 =	simm.s32 $0x0;
	s25 =	sshll.u32 s0, $0x1;
	s13 =	smul.u32 $0x1900, s6  }
0x6: {  	s1 =	rddreg [dreg:$0x1];
	s7 =	sor.u32 s6, s25;
	s28 =	smul.u32 $0xC8000, s6  }
0x7: {  	[smem:$0x7FF] =	sst s2;
	s9 =	ssub.s32 $0x2, s6;
	s3 =	smul.u32 $0x1900, s7  }
0x8: {  	s11 =	sadd.s32 $0x7B7200, s4;
	s8 =	smul.u32 $0xC8000, s7;
	s26 =	sshrl.u32 s9, $0x1  }
0x9: {  	_ =	strace $0x80000047;
	s7 =	smul.u32 $0x19000, s7;
	s9 =	ssub.s32 s9, s26  }
0xa: {  	s30 =	sadd.s32 s13, s12;
	s12 =	simm.s32 $0x1900;
	s13 =	simm.s32 $0x3900  }
0xb: {  	s3 =	sshrl.u32 s3, $0x3;
	s8 =	sshrl.u32 s8, $0x3;
	s7 =	sadd.s32 s11, s7  }
0xc: {  	s5 =	sadd.s32 s3, s4;
	s3 =	sadd.s32 $0xE00, s4;
	s29 =	sadd.s32 s11, s8  }
0xd: {  	s8 =	sshll.u32 s30, $0x4;
	s7 =	sadd.s32 $0x18800, s7;
	s4 =	sadd.s32 $0x7B0E00, s5  }
0xe: {  	s5 =	smax.u32 s9, $0x1;
	s6 =	sadd.s32 $0x18000, s29;
	s9 =	sadd.s32 s28, s10  }
0xf: {  	s31 =	sadd.s32 s8, s11;
	s10 =	simm.s32 $0x3;
	s9 =	sshrl.u32 s9, $0x3  }
0x10: {  	s8 =	sadd.s32 s9, s11;
	s9 =	sadd.s32 $0x800, s31;
	s11 =	simm.s32 $0x80  }
.LBB2_1:
0x11: {  	[tilespmem:s2], [sflag:$0x3] =	stream.linear.gather [hbm4b:s4+s2], $0x1900, $0x38;
	[tilespmem:$0x5900] =	vst v63  }
0x12: {  	_ =	swait.ge [sflag:s10], $0x1900  }
0x13: {  	[sflag:s10] =	ssyncset.done $0x0  }
0x14: {  	[sflag:s10] =	ssyncadd.s32 $0xFFFFE700  }
0x15: {  	[tilespmem:s12], [sflag:$0x1] =	stream.indirect.gather [hbm4b:s3+s11], $0x40, s2, s11, $0xb8;
	[tilespmem:$0x5900] =	vst v63  }
0x16: {  	s19 =	simm.s32 $0x80  }
0x17: {  	[tilespmem:s13], [sflag:$0x2] =	stream.indirect.gather [hbm4b:s3+s11], $0x40, s19, s11, $0xb8;
	[tilespmem:$0x5900] =	vst v63  }
0x18: {  	_ =	swait.ge [sflag:s14], $0x2000  }
0x19: {  	[sflag:s14] =	ssyncset.done $0x0  }
0x1a: {  	s29 =	sadd.s32 $0x0, s8;
	[sflag:s14] =	ssyncadd.s32 $0xFFFFE000  }
0x1b: {  	[hbm4b:s29+s15] =	stream.strided.scatter [tilespmem:s12], [sflag:$0x3], $0x2000, s11, s15, $0x38;
	[tilespmem:$0x5900] =	vst v63  }
0x1c: {  	_ =	swait.ge [sflag:s10], $0x2000  }
0x1d: {  	[sflag:s10] =	ssyncset.done $0x0  }
0x1e: {  	s30 =	simm.s32 $0x100;
	[sflag:s10] =	ssyncadd.s32 $0xFFFFE000  }
0x1f: {  	[tilespmem:s12], [sflag:$0x1] =	stream.indirect.gather [hbm4b:s3+s11], $0x40, s30, s11, $0xb8;
	[tilespmem:$0x5900] =	vst v63  }
0x20: {  	_ =	swait.ge [sflag:s16], $0x2000  }
0x21: {  	[sflag:s16] =	ssyncset.done $0x0  }
0x22: {  	s31 =	sadd.s32 $0x0, s9;
	[sflag:s16] =	ssyncadd.s32 $0xFFFFE000  }
0x23: {  	[hbm4b:s31+s15] =	stream.strided.scatter [tilespmem:s13], [sflag:$0x3], $0x2000, s11, s15, $0x38;
	[tilespmem:$0x5900] =	vst v63  }
0x24: {  	s21 =	simm.s32 $0x2000;
	_ =	swait.ge [sflag:s10], $0x2000  }
0x25: {  	s20 =	simm.s32 $0x200;
	s19 =	simm.s32 $0x1000;
	[sflag:s10] =	ssyncset.done $0x0  }
.LBB2_2:
0x26: {  	p0 =	sne.s32 s21, $0x17000;
	s22 =	sadd.s32 $0xFFFFFF80, s20;
	[sflag:s10] =	ssyncadd.s32 $0xFFFFE000  }
0x27: {  	[tilespmem:s13], [sflag:$0x2] =	stream.indirect.gather [hbm4b:s3+s11], $0x40, s22, s11, $0xb8;
	[tilespmem:$0x5900] =	vst v63  }
0x28: {  	s22 =	smov.u32 s21;
	s21 =	sadd.s32 $0x1000, s21;
	_ =	swait.ge [sflag:s14], $0x2000  }
0x29: {  	[sflag:s14] =	ssyncset.done $0x0  }
0x2a: {  	s23 =	sadd.s32 s19, s8;
	[sflag:s14] =	ssyncadd.s32 $0xFFFFE000  }
0x2b: {  	[hbm4b:s23+s15] =	stream.strided.scatter [tilespmem:s12], [sflag:$0x3], $0x2000, s11, s15, $0x38;
	[tilespmem:$0x5900] =	vst v63  }
0x2c: {  	_ =	swait.ge [sflag:s10], $0x2000  }
0x2d: {  	[sflag:s10] =	ssyncset.done $0x0  }
0x2e: {  	[sflag:s10] =	ssyncadd.s32 $0xFFFFE000  }
0x2f: {  	[tilespmem:s12], [sflag:$0x1] =	stream.indirect.gather [hbm4b:s3+s11], $0x40, s20, s11, $0xb8;
	[tilespmem:$0x5900] =	vst v63  }
0x30: {  	_ =	swait.ge [sflag:s16], $0x2000  }
.Ltmp0:
0x31: {  	[sflag:s16] =	ssyncset.done $0x0;
	(pc) =	sbr.rel @p0 .LBB2_2-.Ltmp0, $4  }
0x32: {  	s23 =	sadd.s32 s19, s9;
	s19 =	smov.u32 s22;
	[sflag:s16] =	ssyncadd.s32 $0xFFFFE000  }
0x33: {  	[hbm4b:s23+s15] =	stream.strided.scatter [tilespmem:s13], [sflag:$0x3], $0x2000, s11, s15, $0x38;
	[tilespmem:$0x5900] =	vst v63  }
0x34: {  	_ =	swait.ge [sflag:s10], $0x2000  }
0x35: {  	s20 =	sadd.s32 $0x100, s20;
	[sflag:s10] =	ssyncset.done $0x0  }
0x36: {  	s21 =	sadd.s32 $0xFFFFFF80, s20;
	[sflag:s10] =	ssyncadd.s32 $0xFFFFE000  }
0x37: {  	[tilespmem:s13], [sflag:$0x2] =	stream.indirect.gather [hbm4b:s3+s11], $0x40, s21, s11, $0xb8;
	[tilespmem:$0x5900] =	vst v63  }
0x38: {  	_ =	swait.ge [sflag:s14], $0x2000  }
0x39: {  	[sflag:s14] =	ssyncset.done $0x0  }
0x3a: {  	s30 =	sadd.s32 s19, s8;
	[sflag:s14] =	ssyncadd.s32 $0xFFFFE000  }
0x3b: {  	[hbm4b:s30+s15] =	stream.strided.scatter [tilespmem:s12], [sflag:$0x3], $0x2000, s11, s15, $0x38;
	[tilespmem:$0x5900] =	vst v63  }
0x3c: {  	_ =	swait.ge [sflag:s10], $0x2000  }
0x3d: {  	[sflag:s10] =	ssyncset.done $0x0  }
0x3e: {  	[sflag:s10] =	ssyncadd.s32 $0xFFFFE000  }
0x3f: {  	[tilespmem:s12], [sflag:$0x1] =	stream.indirect.gather [hbm4b:s3+s11], $0x40, s20, s11, $0xb8;
	[tilespmem:$0x5900] =	vst v63  }
0x40: {  	_ =	swait.ge [sflag:s16], $0x2000  }
0x41: {  	[sflag:s16] =	ssyncset.done $0x0  }
0x42: {  	s31 =	sadd.s32 s19, s9;
	[sflag:s16] =	ssyncadd.s32 $0xFFFFE000  }
0x43: {  	[hbm4b:s31+s15] =	stream.strided.scatter [tilespmem:s13], [sflag:$0x3], $0x2000, s11, s15, $0x38;
	[tilespmem:$0x5900] =	vst v63  }
0x44: {  	_ =	swait.ge [sflag:s10], $0x2000  }
0x45: {  	[sflag:s10] =	ssyncset.done $0x0  }
0x46: {  	[sflag:s10] =	ssyncadd.s32 $0xFFFFE000  }
0x47: {  	[tilespmem:s13], [sflag:$0x2] =	stream.indirect.gather [hbm4b:s3+s11], $0x40, s17, s11, $0xb8;
	[tilespmem:$0x5900] =	vst v63  }
0x48: {  	_ =	swait.ge [sflag:s14], $0x2000  }
0x49: {  	[sflag:s14] =	ssyncset.done $0x0  }
0x4a: {  	[sflag:s14] =	ssyncadd.s32 $0xFFFFE000  }
0x4b: {  	[hbm4b:s6+s15] =	stream.strided.scatter [tilespmem:s12], [sflag:$0x3], $0x2000, s11, s15, $0x38;
	[tilespmem:$0x5900] =	vst v63  }
0x4c: {  	_ =	swait.ge [sflag:s10], $0x2000  }
0x4d: {  	[sflag:s10] =	ssyncset.done $0x0  }
0x4e: {  	[sflag:s10] =	ssyncadd.s32 $0xFFFFE000  }
0x4f: {  	s18 =	sadd.s32 $0x1, s18;
	_ =	swait.ge [sflag:s16], $0x2000  }
0x50: {  	p0 =	sne.s32 s18, s5;
	[sflag:s16] =	ssyncset.done $0x0  }
.Ltmp1:
0x51: {  	[sflag:s16] =	ssyncadd.s32 $0xFFFFE000;
	(pc) =	sbr.rel @p0 .LBB2_1-.Ltmp1, $4  }
0x52: {  	[hbm4b:s7+s15] =	stream.strided.scatter [tilespmem:s13], [sflag:$0x3], $0x2000, s11, s15, $0x38;
	[tilespmem:$0x5900] =	vst v63  }
0x53: {  	_ =	swait.ge [sflag:s10], $0x2000  }
0x54: {  	[sflag:s10] =	ssyncset.done $0x0  }
0x55: {  	[sflag:s10] =	ssyncadd.s32 $0xFFFFE000  }
0x56: {  	_ =	sfence.sel $0x180000  }
0x57: {  	[bflag:$0x0] =	sbarrier.arrive $0xFFFF  }
0x58: {  	p0 =	sne.s32 s0, $0x0;
	_ =	strace $0x90000047  }
0x59: {  	s0 =	sadd.s32 @!p0 $0x100000, s1;
	[bflag:$0x2] =	sbarrier.arrive $0xFFFF  }
0x5a: {  	[sflag:s0] =	ssyncadd.tile.s32 @!p0 $0x1;
	_ =	shalt  }
.Lfunc_end2:
_tile_overlayer_lowered:
.L_overlay_start_2:
0x5b: {  	(tag) =	ssettag $0x2  }
0x5c: {  	s0 =	rddreg [dreg:$0x0];
	s2 =	stileid.u32  }
0x5d: {  	s1 =	rddreg [dreg:$0x1];
	p0 =	sne.s32 s2, $0x0  }
0x5e: {  	s3 =	rddreg [dreg:$0x2];
	[bflag:$0x3] =	sbarrier.arrive $0xFFFF;
	s2 =	simm.s32 @!p0 $0x1C03  }
0x5f: {  	[timem:s3], [sflag:s2] =	dma.local @!p0 [hbm:s0], s1  }
0x60: {  	s0 =	simm.s32 @!p0 $0x3  }
0x61: {  	_ =	swait.ge @!p0 [sflag:s0], s1  }
0x62: {  	s1 =	ssub.s32 @!p0 $0x0, s1;
	[sflag:s0] =	ssyncset.done @!p0 $0x0  }
0x63: {  	[sflag:s0] =	ssyncadd.s32 @!p0 s1  }
0x64: {  	[bflag:$0x3] =	sbarrier.arrive $0xFFFF  }
0x65: {  	_ =	shalt  }

</sc_bundles>
